<compile_context>
chip_gen: v7x
topology: tpu7x:2x2x1
jax: 0.10.2.dev20260603
libtpu: 0.0.44.dev20260713+nightly
codegen_flags: <defaults>
</compile_context>

<pallas_src>
import jax
import jax.numpy as jnp
from jax import lax
from jax.experimental import pallas as pl
from jax.experimental.pallas import tpu as pltpu
from jax.experimental.pallas import tpu_sc as plsc

_HIDDEN = 128
_NG = 16
_LV = 102
_DV = 11
_NN = 32768
_NREL = 18

_NTILES = 32
_NPT = _NN // _NTILES


def _sc_hist_body(lab_hbm, deg_hbm, bat_hbm, cnt_hbm, lab_v, deg_v, bat_v, tab_v):
    cid = lax.axis_index("c")
    sid = lax.axis_index("s")
    wid = cid * 16 + sid
    base = wid * _NPT
    zeros = jnp.zeros((16,), jnp.float32)

    @pl.loop(0, 32)
    def _zero_row(r):
        for k in range(8):
            tab_v[r, pl.ds(k * 16, 16)] = zeros
    pltpu.sync_copy(lab_hbm.at[pl.ds(base, _NPT)], lab_v)
    pltpu.sync_copy(deg_hbm.at[pl.ds(base, _NPT)], deg_v)
    pltpu.sync_copy(bat_hbm.at[pl.ds(base, _NPT)], bat_v)
    ones = jnp.ones((16,), jnp.float32)

    @pl.loop(0, _NPT, step=64)
    def _hist(i):
        for u in range(4):
            b16 = bat_v[pl.ds(i + u * 16, 16)]
            l16 = jnp.clip(lab_v[pl.ds(i + u * 16, 16)], 0, _LV - 1)
            d16 = jnp.clip(deg_v[pl.ds(i + u * 16, 16)], 0, _DV - 1)
            plsc.addupdate_scatter(tab_v, [b16, l16], ones)
            plsc.addupdate_scatter(tab_v, [b16 + 16, d16], ones)
    pltpu.sync_copy(tab_v, cnt_hbm.at[wid])


def _sc_hist(lab, deg, bat):
    mesh = plsc.VectorSubcoreMesh(core_axis_name="c", subcore_axis_name="s",
                                  num_cores=2, num_subcores=16)
    return pl.kernel(
        _sc_hist_body,
        out_type=jax.ShapeDtypeStruct((_NTILES, 32, 128), jnp.float32),
        mesh=mesh,
        compiler_params=pltpu.CompilerParams(needs_layout_passes=False),
        scratch_types=[
            pltpu.VMEM((_NPT,), jnp.int32),
            pltpu.VMEM((_NPT,), jnp.int32),
            pltpu.VMEM((_NPT,), jnp.int32),
            pltpu.VMEM((32, 128), jnp.float32),
        ],
    )(lab, deg, bat)


def _tc_head_body(cnt_ref, gf_ref, le_ref, de_ref, gw_ref, gb_ref,
                  w1_ref, b1_ref, w2_ref, b2_ref, out_ref):
    c = jnp.sum(cnt_ref[...], axis=0)
    counts_lab = c[:_NG, :_LV]
    counts_deg = c[_NG:, :_DV]
    hg = (jnp.dot(counts_lab, le_ref[...], preferred_element_type=jnp.float32,
                  precision=lax.Precision.HIGHEST)
          + jnp.dot(counts_deg, de_ref[...], preferred_element_type=jnp.float32,
                    precision=lax.Precision.HIGHEST))
    gp = jnp.dot(gf_ref[...], gw_ref[...], preferred_element_type=jnp.float32,
                 precision=lax.Precision.HIGHEST) + gb_ref[...]
    cat = jnp.concatenate([hg, gp], axis=1)
    hidden = jnp.maximum(
        jnp.dot(cat, w1_ref[...], preferred_element_type=jnp.float32,
                precision=lax.Precision.HIGHEST) + b1_ref[...], 0.0)
    out_ref[...] = jnp.dot(hidden, w2_ref[...], preferred_element_type=jnp.float32,
                           precision=lax.Precision.HIGHEST) + b2_ref[...]


def kernel(x, batch, g_feat, label_emb, deg_emb, gproj_w, gproj_b,
           w1, b1, w2, b2):
    xi = x.astype(jnp.int32)
    bat = batch.astype(jnp.int32)
    counts = _sc_hist(xi[:, 0], xi[:, 1], bat)
    out = pl.pallas_call(
        _tc_head_body,
        out_shape=jax.ShapeDtypeStruct((_NG, _NREL), jnp.float32),
    )(counts, g_feat, label_emb, deg_emb, gproj_w, gproj_b.reshape(1, _HIDDEN),
      w1, b1.reshape(1, _HIDDEN), w2, b2.reshape(1, _NREL))
    return out

# --- scband reference (transcript-rebuilt; emitter-appended) ---
"""Pipeline reference for scband-buddy-mlp-2267742732911 (READ-ONLY COPY).

The authoritative reference and input builder live on the scoring server;
editing this copy changes nothing except your own understanding.
"""

import jax, jax.numpy as jnp
import numpy as np

HIDDEN = 128
NUM_REL = 18
MAX_LABEL = 100
MAX_DEG = 10
N_NODES = 32768
N_GRAPHS = 16
LABEL_VOCAB = MAX_LABEL + 2  # 102
DEG_VOCAB = MAX_DEG + 1      # 11


def setup_inputs(seed: int = 0) -> dict:
    key = jax.random.key(seed)
    ks = jax.random.split(key, 10)
    x = jax.random.randint(ks[0], (N_NODES, 2), 0, 11, dtype=jnp.int64)
    batch = jnp.sort(jax.random.randint(ks[1], (N_NODES,), 0, N_GRAPHS, dtype=jnp.int64))
    g_feat = jax.random.normal(ks[2], (N_GRAPHS, LABEL_VOCAB), dtype=jnp.float32)
    # parameters (xavier-ish scaling)
    label_emb = jax.random.normal(ks[3], (LABEL_VOCAB, HIDDEN), dtype=jnp.float32) * (6.0 / (LABEL_VOCAB + HIDDEN)) ** 0.5
    deg_emb = jax.random.normal(ks[4], (DEG_VOCAB, HIDDEN), dtype=jnp.float32) * (6.0 / (DEG_VOCAB + HIDDEN)) ** 0.5
    gproj_w = jax.random.normal(ks[5], (LABEL_VOCAB, HIDDEN), dtype=jnp.float32) * (1.0 / LABEL_VOCAB) ** 0.5
    gproj_b = jnp.zeros((HIDDEN,), dtype=jnp.float32)
    w1 = jax.random.normal(ks[6], (HIDDEN * 2, HIDDEN), dtype=jnp.float32) * (1.0 / (HIDDEN * 2)) ** 0.5
    b1 = jnp.zeros((HIDDEN,), dtype=jnp.float32)
    w2 = jax.random.normal(ks[7], (HIDDEN, NUM_REL), dtype=jnp.float32) * (1.0 / HIDDEN) ** 0.5
    b2 = jnp.zeros((NUM_REL,), dtype=jnp.float32)
    return {"x": x, "batch": batch, "g_feat": g_feat, "label_emb": label_emb,
            "deg_emb": deg_emb, "gproj_w": gproj_w, "gproj_b": gproj_b,
            "w1": w1, "b1": b1, "w2": w2, "b2": b2}


def reference(x, batch, g_feat, label_emb, deg_emb, gproj_w, gproj_b, w1, b1, w2, b2):
    # split label / degree columns (x.size(1) == 2 path)
    labels = x[:, 0].reshape(-1)
    degs = x[:, 1].reshape(-1)
    labels = jnp.clip(labels, 0, LABEL_VOCAB - 1)
    degs = jnp.clip(degs, 0, DEG_VOCAB - 1)
    # embedding lookups (gathers)
    h = jnp.take(label_emb, labels, axis=0) + jnp.take(deg_emb, degs, axis=0)
    # global_add_pool -> segment sum over graph ids
    hg = jax.ops.segment_sum(h, batch, num_segments=N_GRAPHS)
    # graph feature projection
    gp = g_feat @ gproj_w + gproj_b
    cat = jnp.concatenate([hg, gp], axis=-1)
    # dropout is identity in eval mode
    hidden = jnp.maximum(cat @ w1 + b1, 0.0)
    logits = hidden @ w2 + b2
    return logits

if __name__ == "__main__":
    import jax
    _d = setup_inputs()
    print(jax.jit(kernel)(*tuple(_d.values())))

</pallas_src>

<mosaic_0001>
#map = affine_map<(d0, d1) -> (0)>
#map1 = affine_map<(d0, d1) -> (0, 0, 0)>
module attributes {stable_mosaic.version = 14 : i64} {
  func.func @_sc_hist_body(%arg0: i32, %arg1: i32, %arg2: memref<32768xi32, #tpu.memory_space<hbm>>, %arg3: memref<32768xi32, #tpu.memory_space<hbm>>, %arg4: memref<32768xi32, #tpu.memory_space<hbm>>, %arg5: memref<32x32x128xf32, #tpu.memory_space<hbm>>, %arg6: memref<1024xi32, #tpu.memory_space<vmem>>, %arg7: memref<1024xi32, #tpu.memory_space<vmem>>, %arg8: memref<1024xi32, #tpu.memory_space<vmem>>, %arg9: memref<32x128xf32, #tpu.memory_space<vmem>>) attributes {dimension_semantics = [#tpu.dimension_semantics<core_parallel>, #tpu.dimension_semantics<subcore_parallel>], iteration_bounds = array<i64: 2, 16>, scalar_prefetch = 0 : i64, scratch_operands = 4 : i64, tpu.core_type = #tpu.core_type<sc_vector_subcore>, window_params = [{transform_indices = #map}, {transform_indices = #map}, {transform_indices = #map}, {transform_indices = #map1}]} {
    %mul3A = arith.constant 16 : i32
    %mul3A_0 = arith.muli %arg0, %mul3A : i32
    %add3A = arith.addi %mul3A_0, %arg1 : i32
    %mul3A_1 = arith.constant 1024 : i32
    %mul3A_2 = arith.muli %add3A, %mul3A_1 : i32
    %broadcast_in_dim3A = arith.constant 0.000000e+00 : f32
    %broadcast_in_dim3A_3 = vector.broadcast %broadcast_in_dim3A : f32 to vector<16xf32>
    %scan3A = arith.constant 0 : i32
    %scan3A_4 = arith.constant 32 : i32
    %scan3A_5 = arith.addi %scan3A, %scan3A_4 : i32
    %scan3A_6 = arith.constant 1 : i32
    scf.for %scan3A_15 = %scan3A to %scan3A_5 step %scan3A_6  : i32 {
      %mul3A_16 = arith.constant 1 : i32
      %mul3A_17 = arith.muli %scan3A_15, %mul3A_16 : i32
      %add3A_18 = arith.constant 0 : i32
      %add3A_19 = arith.addi %add3A_18, %mul3A_17 : i32
      %swap3A = arith.index_cast %add3A_19 : i32 to index
      %swap3A_20 = arith.constant 0 : index
      %swap3A_21 = tpu.vector_load %arg9[%swap3A, %swap3A_20] {strides = array<i32>} : memref<32x128xf32, #tpu.memory_space<vmem>>, vector<16xf32>,
      tpu.vector_store %arg9[%swap3A, %swap3A_20], %broadcast_in_dim3A_3 {strides = array<i32>} : memref<32x128xf32, #tpu.memory_space<vmem>>, vector<16xf32>,
      %swap3A_22 = arith.index_cast %add3A_19 : i32 to index
      %swap3A_23 = arith.constant 16 : index
      %swap3A_24 = tpu.vector_load %arg9[%swap3A_22, %swap3A_23] {strides = array<i32>} : memref<32x128xf32, #tpu.memory_space<vmem>>, vector<16xf32>,
      tpu.vector_store %arg9[%swap3A_22, %swap3A_23], %broadcast_in_dim3A_3 {strides = array<i32>} : memref<32x128xf32, #tpu.memory_space<vmem>>, vector<16xf32>,
      %swap3A_25 = arith.index_cast %add3A_19 : i32 to index
      %swap3A_26 = arith.constant 32 : index
      %swap3A_27 = tpu.vector_load %arg9[%swap3A_25, %swap3A_26] {strides = array<i32>} : memref<32x128xf32, #tpu.memory_space<vmem>>, vector<16xf32>,
      tpu.vector_store %arg9[%swap3A_25, %swap3A_26], %broadcast_in_dim3A_3 {strides = array<i32>} : memref<32x128xf32, #tpu.memory_space<vmem>>, vector<16xf32>,
      %swap3A_28 = arith.index_cast %add3A_19 : i32 to index
      %swap3A_29 = arith.constant 48 : index
      %swap3A_30 = tpu.vector_load %arg9[%swap3A_28, %swap3A_29] {strides = array<i32>} : memref<32x128xf32, #tpu.memory_space<vmem>>, vector<16xf32>,
      tpu.vector_store %arg9[%swap3A_28, %swap3A_29], %broadcast_in_dim3A_3 {strides = array<i32>} : memref<32x128xf32, #tpu.memory_space<vmem>>, vector<16xf32>,
      %swap3A_31 = arith.index_cast %add3A_19 : i32 to index
      %swap3A_32 = arith.constant 64 : index
      %swap3A_33 = tpu.vector_load %arg9[%swap3A_31, %swap3A_32] {strides = array<i32>} : memref<32x128xf32, #tpu.memory_space<vmem>>, vector<16xf32>,
      tpu.vector_store %arg9[%swap3A_31, %swap3A_32], %broadcast_in_dim3A_3 {strides = array<i32>} : memref<32x128xf32, #tpu.memory_space<vmem>>, vector<16xf32>,
      %swap3A_34 = arith.index_cast %add3A_19 : i32 to index
      %swap3A_35 = arith.constant 80 : index
      %swap3A_36 = tpu.vector_load %arg9[%swap3A_34, %swap3A_35] {strides = array<i32>} : memref<32x128xf32, #tpu.memory_space<vmem>>, vector<16xf32>,
      tpu.vector_store %arg9[%swap3A_34, %swap3A_35], %broadcast_in_dim3A_3 {strides = array<i32>} : memref<32x128xf32, #tpu.memory_space<vmem>>, vector<16xf32>,
      %swap3A_37 = arith.index_cast %add3A_19 : i32 to index
      %swap3A_38 = arith.constant 96 : index
      %swap3A_39 = tpu.vector_load %arg9[%swap3A_37, %swap3A_38] {strides = array<i32>} : memref<32x128xf32, #tpu.memory_space<vmem>>, vector<16xf32>,
      tpu.vector_store %arg9[%swap3A_37, %swap3A_38], %broadcast_in_dim3A_3 {strides = array<i32>} : memref<32x128xf32, #tpu.memory_space<vmem>>, vector<16xf32>,
      %swap3A_40 = arith.index_cast %add3A_19 : i32 to index
      %swap3A_41 = arith.constant 112 : index
      %swap3A_42 = tpu.vector_load %arg9[%swap3A_40, %swap3A_41] {strides = array<i32>} : memref<32x128xf32, #tpu.memory_space<vmem>>, vector<16xf32>,
      tpu.vector_store %arg9[%swap3A_40, %swap3A_41], %broadcast_in_dim3A_3 {strides = array<i32>} : memref<32x128xf32, #tpu.memory_space<vmem>>, vector<16xf32>,
    }
    %scan3A_7 = arith.constant 32 : i32
    "tpu.region"() ({
      %run_scoped3A = tpu.sem_alloc : memref<!tpu.dma_semaphore, #tpu.memory_space<semaphore_mem>>
      %dma_start3A = tpu.memref_slice %arg2[%mul3A_2] : memref<32768xi32, #tpu.memory_space<hbm>> -> memref<1024xi32, #tpu.memory_space<hbm>>
      %dma_start3A_15 = tpu.memref_slice %arg2[%mul3A_2] : memref<32768xi32, #tpu.memory_space<hbm>> -> memref<1024xi32, #tpu.memory_space<hbm>>
      tpu.enqueue_dma source(%dma_start3A_15 : memref<1024xi32, #tpu.memory_space<hbm>>) target(%arg6 : memref<1024xi32, #tpu.memory_space<vmem>>) target_semaphore(%run_scoped3A : memref<!tpu.dma_semaphore, #tpu.memory_space<semaphore_mem>>)
      %dma_wait3A = tpu.memref_slice %arg2[%mul3A_2] : memref<32768xi32, #tpu.memory_space<hbm>> -> memref<1024xi32, #tpu.memory_space<hbm>>
      %dma_wait3A_16 = tpu.memref_slice %arg2[%mul3A_2] : memref<32768xi32, #tpu.memory_space<hbm>> -> memref<1024xi32, #tpu.memory_space<hbm>>
      tpu.wait_dma2 semaphore(%run_scoped3A : memref<!tpu.dma_semaphore, #tpu.memory_space<semaphore_mem>>) src(%dma_wait3A_16 : memref<1024xi32, #tpu.memory_space<hbm>>) dst(%arg6 : memref<1024xi32, #tpu.memory_space<vmem>>)
      tpu.yield
    }) : () -> ()
    "tpu.region"() ({
      %run_scoped3A = tpu.sem_alloc : memref<!tpu.dma_semaphore, #tpu.memory_space<semaphore_mem>>
      %dma_start3A = tpu.memref_slice %arg3[%mul3A_2] : memref<32768xi32, #tpu.memory_space<hbm>> -> memref<1024xi32, #tpu.memory_space<hbm>>
      %dma_start3A_15 = tpu.memref_slice %arg3[%mul3A_2] : memref<32768xi32, #tpu.memory_space<hbm>> -> memref<1024xi32, #tpu.memory_space<hbm>>
      tpu.enqueue_dma source(%dma_start3A_15 : memref<1024xi32, #tpu.memory_space<hbm>>) target(%arg7 : memref<1024xi32, #tpu.memory_space<vmem>>) target_semaphore(%run_scoped3A : memref<!tpu.dma_semaphore, #tpu.memory_space<semaphore_mem>>)
      %dma_wait3A = tpu.memref_slice %arg3[%mul3A_2] : memref<32768xi32, #tpu.memory_space<hbm>> -> memref<1024xi32, #tpu.memory_space<hbm>>
      %dma_wait3A_16 = tpu.memref_slice %arg3[%mul3A_2] : memref<32768xi32, #tpu.memory_space<hbm>> -> memref<1024xi32, #tpu.memory_space<hbm>>
      tpu.wait_dma2 semaphore(%run_scoped3A : memref<!tpu.dma_semaphore, #tpu.memory_space<semaphore_mem>>) src(%dma_wait3A_16 : memref<1024xi32, #tpu.memory_space<hbm>>) dst(%arg7 : memref<1024xi32, #tpu.memory_space<vmem>>)
      tpu.yield
    }) : () -> ()
    "tpu.region"() ({
      %run_scoped3A = tpu.sem_alloc : memref<!tpu.dma_semaphore, #tpu.memory_space<semaphore_mem>>
      %dma_start3A = tpu.memref_slice %arg4[%mul3A_2] : memref<32768xi32, #tpu.memory_space<hbm>> -> memref<1024xi32, #tpu.memory_space<hbm>>
      %dma_start3A_15 = tpu.memref_slice %arg4[%mul3A_2] : memref<32768xi32, #tpu.memory_space<hbm>> -> memref<1024xi32, #tpu.memory_space<hbm>>
      tpu.enqueue_dma source(%dma_start3A_15 : memref<1024xi32, #tpu.memory_space<hbm>>) target(%arg8 : memref<1024xi32, #tpu.memory_space<vmem>>) target_semaphore(%run_scoped3A : memref<!tpu.dma_semaphore, #tpu.memory_space<semaphore_mem>>)
      %dma_wait3A = tpu.memref_slice %arg4[%mul3A_2] : memref<32768xi32, #tpu.memory_space<hbm>> -> memref<1024xi32, #tpu.memory_space<hbm>>
      %dma_wait3A_16 = tpu.memref_slice %arg4[%mul3A_2] : memref<32768xi32, #tpu.memory_space<hbm>> -> memref<1024xi32, #tpu.memory_space<hbm>>
      tpu.wait_dma2 semaphore(%run_scoped3A : memref<!tpu.dma_semaphore, #tpu.memory_space<semaphore_mem>>) src(%dma_wait3A_16 : memref<1024xi32, #tpu.memory_space<hbm>>) dst(%arg8 : memref<1024xi32, #tpu.memory_space<vmem>>)
      tpu.yield
    }) : () -> ()
    %broadcast_in_dim3A_8 = arith.constant 1.000000e+00 : f32
    %broadcast_in_dim3A_9 = vector.broadcast %broadcast_in_dim3A_8 : f32 to vector<16xf32>
    %scan3A_10 = arith.constant 0 : i32
    %scan3A_11 = arith.constant 16 : i32
    %scan3A_12 = arith.addi %scan3A_10, %scan3A_11 : i32
    %scan3A_13 = arith.constant 1 : i32
    scf.for %scan3A_15 = %scan3A_10 to %scan3A_12 step %scan3A_13  : i32 {
      %mul3A_16 = arith.constant 64 : i32
      %mul3A_17 = arith.muli %scan3A_15, %mul3A_16 : i32
      %add3A_18 = arith.constant 0 : i32
      %add3A_19 = arith.addi %add3A_18, %mul3A_17 : i32
      %add3A_20 = arith.constant 0 : i32
      %add3A_21 = arith.addi %add3A_19, %add3A_20 : i32
      %get3A = arith.index_cast %add3A_21 : i32 to index
      %get3A_22 = tpu.vector_load %arg8[%get3A] {strides = array<i32>} : memref<1024xi32, #tpu.memory_space<vmem>>, vector<16xi32>,
      %add3A_23 = arith.constant 0 : i32
      %add3A_24 = arith.addi %add3A_19, %add3A_23 : i32
      %get3A_25 = arith.index_cast %add3A_24 : i32 to index
      %get3A_26 = tpu.vector_load %arg6[%get3A_25] {strides = array<i32>} : memref<1024xi32, #tpu.memory_space<vmem>>, vector<16xi32>,
      %jit3A = arith.constant 0 : i32
      %jit3A_27 = arith.constant 101 : i32
      %max3A = vector.broadcast %jit3A : i32 to vector<16xi32>
      %max3A_28 = arith.maxsi %max3A, %get3A_26 : vector<16xi32>
      %min3A = vector.broadcast %jit3A_27 : i32 to vector<16xi32>
      %min3A_29 = arith.minsi %min3A, %max3A_28 : vector<16xi32>
      %add3A_30 = arith.constant 0 : i32
      %add3A_31 = arith.addi %add3A_19, %add3A_30 : i32
      %get3A_32 = arith.index_cast %add3A_31 : i32 to index
      %get3A_33 = tpu.vector_load %arg7[%get3A_32] {strides = array<i32>} : memref<1024xi32, #tpu.memory_space<vmem>>, vector<16xi32>,
      %jit3A_34 = arith.constant 0 : i32
      %jit3A_35 = arith.constant 10 : i32
      %max3A_36 = vector.broadcast %jit3A_34 : i32 to vector<16xi32>
      %max3A_37 = arith.maxsi %max3A_36, %get3A_33 : vector<16xi32>
      %min3A_38 = vector.broadcast %jit3A_35 : i32 to vector<16xi32>
      %min3A_39 = arith.minsi %min3A_38, %max3A_37 : vector<16xi32>
      tpu.vector_store_idx %arg9[%get3A_22, %min3A_29], %broadcast_in_dim3A_9 {add = true} : memref<32x128xf32, #tpu.memory_space<vmem>>[vector<16xi32>, vector<16xi32>], vector<16xf32>,
      %add3A_40 = arith.constant 16 : i32
      %add3A_41 = vector.broadcast %add3A_40 : i32 to vector<16xi32>
      %add3A_42 = arith.addi %get3A_22, %add3A_41 : vector<16xi32>
      tpu.vector_store_idx %arg9[%add3A_42, %min3A_39], %broadcast_in_dim3A_9 {add = true} : memref<32x128xf32, #tpu.memory_space<vmem>>[vector<16xi32>, vector<16xi32>], vector<16xf32>,
      %add3A_43 = arith.constant 16 : i32
      %add3A_44 = arith.addi %add3A_19, %add3A_43 : i32
      %get3A_45 = arith.index_cast %add3A_44 : i32 to index
      %get3A_46 = tpu.vector_load %arg8[%get3A_45] {strides = array<i32>} : memref<1024xi32, #tpu.memory_space<vmem>>, vector<16xi32>,
      %add3A_47 = arith.constant 16 : i32
      %add3A_48 = arith.addi %add3A_19, %add3A_47 : i32
      %get3A_49 = arith.index_cast %add3A_48 : i32 to index
      %get3A_50 = tpu.vector_load %arg6[%get3A_49] {strides = array<i32>} : memref<1024xi32, #tpu.memory_space<vmem>>, vector<16xi32>,
      %jit3A_51 = arith.constant 0 : i32
      %jit3A_52 = arith.constant 101 : i32
      %max3A_53 = vector.broadcast %jit3A_51 : i32 to vector<16xi32>
      %max3A_54 = arith.maxsi %max3A_53, %get3A_50 : vector<16xi32>
      %min3A_55 = vector.broadcast %jit3A_52 : i32 to vector<16xi32>
      %min3A_56 = arith.minsi %min3A_55, %max3A_54 : vector<16xi32>
      %add3A_57 = arith.constant 16 : i32
      %add3A_58 = arith.addi %add3A_19, %add3A_57 : i32
      %get3A_59 = arith.index_cast %add3A_58 : i32 to index
      %get3A_60 = tpu.vector_load %arg7[%get3A_59] {strides = array<i32>} : memref<1024xi32, #tpu.memory_space<vmem>>, vector<16xi32>,
      %jit3A_61 = arith.constant 0 : i32
      %jit3A_62 = arith.constant 10 : i32
      %max3A_63 = vector.broadcast %jit3A_61 : i32 to vector<16xi32>
      %max3A_64 = arith.maxsi %max3A_63, %get3A_60 : vector<16xi32>
      %min3A_65 = vector.broadcast %jit3A_62 : i32 to vector<16xi32>
      %min3A_66 = arith.minsi %min3A_65, %max3A_64 : vector<16xi32>
      tpu.vector_store_idx %arg9[%get3A_46, %min3A_56], %broadcast_in_dim3A_9 {add = true} : memref<32x128xf32, #tpu.memory_space<vmem>>[vector<16xi32>, vector<16xi32>], vector<16xf32>,
      %add3A_67 = arith.constant 16 : i32
      %add3A_68 = vector.broadcast %add3A_67 : i32 to vector<16xi32>
      %add3A_69 = arith.addi %get3A_46, %add3A_68 : vector<16xi32>
      tpu.vector_store_idx %arg9[%add3A_69, %min3A_66], %broadcast_in_dim3A_9 {add = true} : memref<32x128xf32, #tpu.memory_space<vmem>>[vector<16xi32>, vector<16xi32>], vector<16xf32>,
      %add3A_70 = arith.constant 32 : i32
      %add3A_71 = arith.addi %add3A_19, %add3A_70 : i32
      %get3A_72 = arith.index_cast %add3A_71 : i32 to index
      %get3A_73 = tpu.vector_load %arg8[%get3A_72] {strides = array<i32>} : memref<1024xi32, #tpu.memory_space<vmem>>, vector<16xi32>,
      %add3A_74 = arith.constant 32 : i32
      %add3A_75 = arith.addi %add3A_19, %add3A_74 : i32
      %get3A_76 = arith.index_cast %add3A_75 : i32 to index
      %get3A_77 = tpu.vector_load %arg6[%get3A_76] {strides = array<i32>} : memref<1024xi32, #tpu.memory_space<vmem>>, vector<16xi32>,
      %jit3A_78 = arith.constant 0 : i32
      %jit3A_79 = arith.constant 101 : i32
      %max3A_80 = vector.broadcast %jit3A_78 : i32 to vector<16xi32>
      %max3A_81 = arith.maxsi %max3A_80, %get3A_77 : vector<16xi32>
      %min3A_82 = vector.broadcast %jit3A_79 : i32 to vector<16xi32>
      %min3A_83 = arith.minsi %min3A_82, %max3A_81 : vector<16xi32>
      %add3A_84 = arith.constant 32 : i32
      %add3A_85 = arith.addi %add3A_19, %add3A_84 : i32
      %get3A_86 = arith.index_cast %add3A_85 : i32 to index
      %get3A_87 = tpu.vector_load %arg7[%get3A_86] {strides = array<i32>} : memref<1024xi32, #tpu.memory_space<vmem>>, vector<16xi32>,
      %jit3A_88 = arith.constant 0 : i32
      %jit3A_89 = arith.constant 10 : i32
      %max3A_90 = vector.broadcast %jit3A_88 : i32 to vector<16xi32>
      %max3A_91 = arith.maxsi %max3A_90, %get3A_87 : vector<16xi32>
      %min3A_92 = vector.broadcast %jit3A_89 : i32 to vector<16xi32>
      %min3A_93 = arith.minsi %min3A_92, %max3A_91 : vector<16xi32>
      tpu.vector_store_idx %arg9[%get3A_73, %min3A_83], %broadcast_in_dim3A_9 {add = true} : memref<32x128xf32, #tpu.memory_space<vmem>>[vector<16xi32>, vector<16xi32>], vector<16xf32>,
      %add3A_94 = arith.constant 16 : i32
      %add3A_95 = vector.broadcast %add3A_94 : i32 to vector<16xi32>
      %add3A_96 = arith.addi %get3A_73, %add3A_95 : vector<16xi32>
      tpu.vector_store_idx %arg9[%add3A_96, %min3A_93], %broadcast_in_dim3A_9 {add = true} : memref<32x128xf32, #tpu.memory_space<vmem>>[vector<16xi32>, vector<16xi32>], vector<16xf32>,
      %add3A_97 = arith.constant 48 : i32
      %add3A_98 = arith.addi %add3A_19, %add3A_97 : i32
      %get3A_99 = arith.index_cast %add3A_98 : i32 to index
      %get3A_100 = tpu.vector_load %arg8[%get3A_99] {strides = array<i32>} : memref<1024xi32, #tpu.memory_space<vmem>>, vector<16xi32>,
      %add3A_101 = arith.constant 48 : i32
      %add3A_102 = arith.addi %add3A_19, %add3A_101 : i32
      %get3A_103 = arith.index_cast %add3A_102 : i32 to index
      %get3A_104 = tpu.vector_load %arg6[%get3A_103] {strides = array<i32>} : memref<1024xi32, #tpu.memory_space<vmem>>, vector<16xi32>,
      %jit3A_105 = arith.constant 0 : i32
      %jit3A_106 = arith.constant 101 : i32
      %max3A_107 = vector.broadcast %jit3A_105 : i32 to vector<16xi32>
      %max3A_108 = arith.maxsi %max3A_107, %get3A_104 : vector<16xi32>
      %min3A_109 = vector.broadcast %jit3A_106 : i32 to vector<16xi32>
      %min3A_110 = arith.minsi %min3A_109, %max3A_108 : vector<16xi32>
      %add3A_111 = arith.constant 48 : i32
      %add3A_112 = arith.addi %add3A_19, %add3A_111 : i32
      %get3A_113 = arith.index_cast %add3A_112 : i32 to index
      %get3A_114 = tpu.vector_load %arg7[%get3A_113] {strides = array<i32>} : memref<1024xi32, #tpu.memory_space<vmem>>, vector<16xi32>,
      %jit3A_115 = arith.constant 0 : i32
      %jit3A_116 = arith.constant 10 : i32
      %max3A_117 = vector.broadcast %jit3A_115 : i32 to vector<16xi32>
      %max3A_118 = arith.maxsi %max3A_117, %get3A_114 : vector<16xi32>
      %min3A_119 = vector.broadcast %jit3A_116 : i32 to vector<16xi32>
      %min3A_120 = arith.minsi %min3A_119, %max3A_118 : vector<16xi32>
      tpu.vector_store_idx %arg9[%get3A_100, %min3A_110], %broadcast_in_dim3A_9 {add = true} : memref<32x128xf32, #tpu.memory_space<vmem>>[vector<16xi32>, vector<16xi32>], vector<16xf32>,
      %add3A_121 = arith.constant 16 : i32
      %add3A_122 = vector.broadcast %add3A_121 : i32 to vector<16xi32>
      %add3A_123 = arith.addi %get3A_100, %add3A_122 : vector<16xi32>
      tpu.vector_store_idx %arg9[%add3A_123, %min3A_120], %broadcast_in_dim3A_9 {add = true} : memref<32x128xf32, #tpu.memory_space<vmem>>[vector<16xi32>, vector<16xi32>], vector<16xf32>,
    }
    %scan3A_14 = arith.constant 16 : i32
    "tpu.region"() ({
      %run_scoped3A = tpu.sem_alloc : memref<!tpu.dma_semaphore, #tpu.memory_space<semaphore_mem>>
      %dma_start3A = arith.constant 0 : i32
      %dma_start3A_15 = arith.constant 0 : i32
      %dma_start3A_16 = tpu.memref_slice %arg5[%add3A, %dma_start3A, %dma_start3A_15] : memref<32x32x128xf32, #tpu.memory_space<hbm>> -> memref<1x32x128xf32, #tpu.memory_space<hbm>>
      %dma_start3A_17 = tpu.memref_squeeze %dma_start3A_16 : memref<1x32x128xf32, #tpu.memory_space<hbm>> -> memref<32x128xf32, #tpu.memory_space<hbm>>
      %dma_start3A_18 = arith.constant 0 : i32
      %dma_start3A_19 = arith.constant 0 : i32
      %dma_start3A_20 = tpu.memref_slice %arg5[%add3A, %dma_start3A_18, %dma_start3A_19] : memref<32x32x128xf32, #tpu.memory_space<hbm>> -> memref<1x32x128xf32, #tpu.memory_space<hbm>>
      %dma_start3A_21 = tpu.memref_squeeze %dma_start3A_20 : memref<1x32x128xf32, #tpu.memory_space<hbm>> -> memref<32x128xf32, #tpu.memory_space<hbm>>
      tpu.enqueue_dma source(%arg9 : memref<32x128xf32, #tpu.memory_space<vmem>>) target(%dma_start3A_21 : memref<32x128xf32, #tpu.memory_space<hbm>>) target_semaphore(%run_scoped3A : memref<!tpu.dma_semaphore, #tpu.memory_space<semaphore_mem>>)
      %dma_wait3A = arith.constant 0 : i32
      %dma_wait3A_22 = arith.constant 0 : i32
      %dma_wait3A_23 = tpu.memref_slice %arg5[%add3A, %dma_wait3A, %dma_wait3A_22] : memref<32x32x128xf32, #tpu.memory_space<hbm>> -> memref<1x32x128xf32, #tpu.memory_space<hbm>>
      %dma_wait3A_24 = tpu.memref_squeeze %dma_wait3A_23 : memref<1x32x128xf32, #tpu.memory_space<hbm>> -> memref<32x128xf32, #tpu.memory_space<hbm>>
      %dma_wait3A_25 = arith.constant 0 : i32
      %dma_wait3A_26 = arith.constant 0 : i32
      %dma_wait3A_27 = tpu.memref_slice %arg5[%add3A, %dma_wait3A_25, %dma_wait3A_26] : memref<32x32x128xf32, #tpu.memory_space<hbm>> -> memref<1x32x128xf32, #tpu.memory_space<hbm>>
      %dma_wait3A_28 = tpu.memref_squeeze %dma_wait3A_27 : memref<1x32x128xf32, #tpu.memory_space<hbm>> -> memref<32x128xf32, #tpu.memory_space<hbm>>
      tpu.wait_dma2 semaphore(%run_scoped3A : memref<!tpu.dma_semaphore, #tpu.memory_space<semaphore_mem>>) src(%arg9 : memref<32x128xf32, #tpu.memory_space<vmem>>) dst(%dma_wait3A_28 : memref<32x128xf32, #tpu.memory_space<hbm>>)
      tpu.yield
    }) : () -> ()
    return
  }
}

module attributes {stable_mosaic.version = 14 : i64} {
  func.func @_tc_head_body(%arg0: memref<32x32x128xf32, #tpu.memory_space<vmem>>, %arg1: memref<16x102xf32, #tpu.memory_space<vmem>>, %arg2: memref<102x128xf32, #tpu.memory_space<vmem>>, %arg3: memref<11x128xf32, #tpu.memory_space<vmem>>, %arg4: memref<102x128xf32, #tpu.memory_space<vmem>>, %arg5: memref<1x128xf32, #tpu.memory_space<vmem>>, %arg6: memref<256x128xf32, #tpu.memory_space<vmem>>, %arg7: memref<1x128xf32, #tpu.memory_space<vmem>>, %arg8: memref<128x18xf32, #tpu.memory_space<vmem>>, %arg9: memref<1x18xf32, #tpu.memory_space<vmem>>, %arg10: memref<16x18xf32, #tpu.memory_space<vmem>>) attributes {dimension_semantics = [], scalar_prefetch = 0 : i64, scratch_operands = 0 : i64, tpu.core_type = #tpu.core_type<tc>} {
    %get3A = arith.constant 0 : index
    %get3A_0 = arith.constant 0 : index
    %get3A_1 = arith.constant 0 : index
    %get3A_2 = vector.load %arg0[%get3A, %get3A_0, %get3A_1] : memref<32x32x128xf32, #tpu.memory_space<vmem>>, vector<32x32x128xf32>
    %reduce_sum3A = arith.constant dense<0.000000e+00> : vector<32x128xf32>
    %reduce_sum3A_3 = vector.multi_reduction <add>, %get3A_2, %reduce_sum3A [0] : vector<32x32x128xf32> to vector<32x128xf32>
    %slice3A = vector.extract_strided_slice %reduce_sum3A_3 {offsets = [0, 0], sizes = [16, 102], strides = [1, 1]} : vector<32x128xf32> to vector<16x102xf32>
    %slice3A_4 = vector.extract_strided_slice %reduce_sum3A_3 {offsets = [16, 0], sizes = [16, 11], strides = [1, 1]} : vector<32x128xf32> to vector<16x11xf32>
    %get3A_5 = arith.constant 0 : index
    %get3A_6 = arith.constant 0 : index
    %get3A_7 = vector.load %arg2[%get3A_5, %get3A_6] : memref<102x128xf32, #tpu.memory_space<vmem>>, vector<102x128xf32>
    %dot_general3A = arith.constant dense<0.000000e+00> : vector<16x128xf32>
    %dot_general3A_8 = tpu.matmul %slice3A, %get3A_7, %dot_general3A {dimension_numbers = #tpu.dot_dimension_numbers<[1], [0], [0], [1], [0, 0, 1, 1], [], []>, precision = #tpu.contract_precision<fp32>, transpose_lhs_hint = false} : vector<16x102xf32>, vector<102x128xf32>, vector<16x128xf32> -> vector<16x128xf32>
    %get3A_9 = arith.constant 0 : index
    %get3A_10 = arith.constant 0 : index
    %get3A_11 = vector.load %arg3[%get3A_9, %get3A_10] : memref<11x128xf32, #tpu.memory_space<vmem>>, vector<11x128xf32>
    %dot_general3A_12 = arith.constant dense<0.000000e+00> : vector<16x128xf32>
    %dot_general3A_13 = tpu.matmul %slice3A_4, %get3A_11, %dot_general3A_12 {dimension_numbers = #tpu.dot_dimension_numbers<[1], [0], [0], [1], [0, 0, 1, 1], [], []>, precision = #tpu.contract_precision<fp32>, transpose_lhs_hint = false} : vector<16x11xf32>, vector<11x128xf32>, vector<16x128xf32> -> vector<16x128xf32>
    %add3A = arith.addf %dot_general3A_8, %dot_general3A_13 : vector<16x128xf32>
    %get3A_14 = arith.constant 0 : index
    %get3A_15 = arith.constant 0 : index
    %get3A_16 = vector.load %arg1[%get3A_14, %get3A_15] : memref<16x102xf32, #tpu.memory_space<vmem>>, vector<16x102xf32>
    %get3A_17 = arith.constant 0 : index
    %get3A_18 = arith.constant 0 : index
    %get3A_19 = vector.load %arg4[%get3A_17, %get3A_18] : memref<102x128xf32, #tpu.memory_space<vmem>>, vector<102x128xf32>
    %dot_general3A_20 = arith.constant dense<0.000000e+00> : vector<16x128xf32>
    %dot_general3A_21 = tpu.matmul %get3A_16, %get3A_19, %dot_general3A_20 {dimension_numbers = #tpu.dot_dimension_numbers<[1], [0], [0], [1], [0, 0, 1, 1], [], []>, precision = #tpu.contract_precision<fp32>, transpose_lhs_hint = false} : vector<16x102xf32>, vector<102x128xf32>, vector<16x128xf32> -> vector<16x128xf32>
    %get3A_22 = arith.constant 0 : index
    %get3A_23 = arith.constant 0 : index
    %get3A_24 = vector.load %arg5[%get3A_22, %get3A_23] : memref<1x128xf32, #tpu.memory_space<vmem>>, vector<1x128xf32>
    %add3A_25 = vector.broadcast %get3A_24 : vector<1x128xf32> to vector<16x128xf32>
    %add3A_26 = arith.addf %dot_general3A_21, %add3A_25 : vector<16x128xf32>
    %concatenate3A = tpu.concatenate %add3A, %add3A_26 in 1 : vector<16x128xf32>, vector<16x128xf32> -> vector<16x256xf32>
    %get3A_27 = arith.constant 0 : index
    %get3A_28 = arith.constant 0 : index
    %get3A_29 = vector.load %arg6[%get3A_27, %get3A_28] : memref<256x128xf32, #tpu.memory_space<vmem>>, vector<256x128xf32>
    %dot_general3A_30 = arith.constant dense<0.000000e+00> : vector<16x128xf32>
    %dot_general3A_31 = tpu.matmul %concatenate3A, %get3A_29, %dot_general3A_30 {dimension_numbers = #tpu.dot_dimension_numbers<[1], [0], [0], [1], [0, 0, 1, 1], [], []>, precision = #tpu.contract_precision<fp32>, transpose_lhs_hint = false} : vector<16x256xf32>, vector<256x128xf32>, vector<16x128xf32> -> vector<16x128xf32>
    %get3A_32 = arith.constant 0 : index
    %get3A_33 = arith.constant 0 : index
    %get3A_34 = vector.load %arg7[%get3A_32, %get3A_33] : memref<1x128xf32, #tpu.memory_space<vmem>>, vector<1x128xf32>
    %add3A_35 = vector.broadcast %get3A_34 : vector<1x128xf32> to vector<16x128xf32>
    %add3A_36 = arith.addf %dot_general3A_31, %add3A_35 : vector<16x128xf32>
    %max3A = arith.constant 0.000000e+00 : f32
    %max3A_37 = vector.broadcast %max3A : f32 to vector<16x128xf32>
    %max3A_38 = arith.maximumf %add3A_36, %max3A_37 : vector<16x128xf32>
    %get3A_39 = arith.constant 0 : index
    %get3A_40 = arith.constant 0 : index
    %get3A_41 = vector.load %arg8[%get3A_39, %get3A_40] : memref<128x18xf32, #tpu.memory_space<vmem>>, vector<128x18xf32>
    %dot_general3A_42 = arith.constant dense<0.000000e+00> : vector<16x18xf32>
    %dot_general3A_43 = tpu.matmul %max3A_38, %get3A_41, %dot_general3A_42 {dimension_numbers = #tpu.dot_dimension_numbers<[1], [0], [0], [1], [0, 0, 1, 1], [], []>, precision = #tpu.contract_precision<fp32>, transpose_lhs_hint = false} : vector<16x128xf32>, vector<128x18xf32>, vector<16x18xf32> -> vector<16x18xf32>
    %get3A_44 = arith.constant 0 : index
    %get3A_45 = arith.constant 0 : index
    %get3A_46 = vector.load %arg9[%get3A_44, %get3A_45] : memref<1x18xf32, #tpu.memory_space<vmem>>, vector<1x18xf32>
    %add3A_47 = vector.broadcast %get3A_46 : vector<1x18xf32> to vector<16x18xf32>
    %add3A_48 = arith.addf %dot_general3A_43, %add3A_47 : vector<16x18xf32>
    %swap3A = arith.constant 0 : index
    %swap3A_49 = arith.constant 0 : index
    %swap3A_50 = vector.load %arg10[%swap3A, %swap3A_49] : memref<16x18xf32, #tpu.memory_space<vmem>>, vector<16x18xf32>
    tpu.vector_store %arg10[%swap3A, %swap3A_49], %add3A_48 {strides = array<i32>} : memref<16x18xf32, #tpu.memory_space<vmem>>, vector<16x18xf32>,
    return
  }
}

</mosaic_0001>

<sc_bundles>
// kernel: kernel.4.cloned.1.call-start
scs
__scs_entry_jumppad:
0x0: {  	(pc) =	sbr.rel $0x88, $3  }
0x1: {  	(tag) =	ssettag $0x0;
	lr =	simm.s32 $0x1  }
0x2: {  	[smem:$0x3F96] =	sst lr;
	_ =	strace $0xD0000000  }
0x3: {  	_ = 	snop  }
0x4: {  	_ = 	snop  }
0x5: {  	_ = 	snop  }
0x6: {  	_ = 	snop  }
0x7: {  	_ = 	snop  }
__scs_overlays_trampoline_lowered:
0x8: {  	[smem:$0x3FA5] =	sst s0  }
0x9: {  	[smem:$0x3FA6] =	sst s1  }
0xa: {  	[smem:$0x3FA7] =	sst s2  }
0xb: {  	[smem:$0x3FA8] =	sst s3  }
0xc: {  	[smem:$0x3FA9] =	sst s4  }
0xd: {  	[smem:$0x3FAA] =	sst s5  }
0xe: {  	[smem:$0x3FAB] =	sst s6  }
0xf: {  	[smem:$0x3FAC] =	sst s7  }
0x10: {  	[smem:$0x3FAD] =	sst s8  }
0x11: {  	[smem:$0x3FAE] =	sst s9;
	s0 =	simm.s32 @!p0 $0x0  }
0x12: {  	s1 =	sld [smem:$0x3F94];
	s0 =	simm.s32 @p0 $0x1  }
0x13: {  	[smem:$0x3FAF] =	sst s0;
	s0 =	simm.s32 @!p1 $0x0  }
0x14: {  	s2 =	sld [smem:$0x3F93];
	s0 =	simm.s32 @p1 $0x1  }
0x15: {  	[smem:$0x3FB0] =	sst s0;
	s0 =	simm.s32 @!p2 $0x0  }
0x16: {  	s3 =	sld [smem:$0x3FDB];
	s0 =	simm.s32 @p2 $0x1  }
0x17: {  	s4 =	simm.s32 $0x1BF5;
	[smem:$0x3FB2] =	sst s0  }
0x18: {  	s0 =	sld [smem:$0x3F95];
	_ =	swait.ge [sflag:s4], $0x0  }
0x19: {  	s7 =	sld [smem:$0x3F96]  }
0x1a: {  	s8 =	sadd.s32 $0xFFFFE003, lr  }
0x1b: {  	s9 =	sadd.s32 $0xFFFFFEF7, lr;
	s5 =	simm.s32 $0xFFFFFFFF;
	p2 =	slt.u32 s8, $0xFFFFF086  }
0x1c: {  	p1 =	slt.u32 s9, $0xF7A;
	s5 =	simm.s32 @!p2 $0x0  }
0x1d: {  	s5 =	simm.s32 @p1 $0x1;
	p0 =	seq.s32 s7, s2  }
0x1e: {  	s7 =	smul.u32 @!p0 $0xF7A, s2;
	p2 =	seq.s32 @!p0 s5, $0x0  }
0x1f: {  	s9 =	smul.u32 $0xF7A, s1;
	s8 =	simm.s32 @!p0 $0x1BF5;
	p2 =	por !p2, p0  }
0x20: {  	[sflag:s8] =	ssyncset.s32 @!p0 $0xFFFFF086;
	s6 =	sadd.s32 @!p0 s3, s7;
	s7 =	simm.s32 @!p0 $0x108  }
0x21: {  	s3 =	sadd.s32 s3, s9;
	s6 =	sadd.s32 @!p0 $0x88, s6;
	s7 =	simm.s32 @p2 $0x1082  }
0x22: {  	[simem:s7], [sflag:s8] =	dma.local @!p0 [hbm:s6], $0xF7A  }
0x23: {  	s9 =	sor.u32 $0xD0000000, s2;
	s6 =	simm.s32 $0x108;
	_ =	swait.ge @!p0 [sflag:s8], $0x0  }
0x24: {  	s3 =	sadd.s32 $0x88, s3;
	s6 =	simm.s32 @!p1 $0x1082;
	[sflag:s4] =	ssyncset.s32 $0xFFFFF086  }
0x25: {  	[simem:s6], [sflag:s4] =	dma.local [hbm:s3], $0xF7A  }
0x26: {  	[smem:$0x3F96] =	sst s1;
	(tag) =	ssettag s2;
	_ =	strace s9  }
0x27: {  	s1 =	sld [smem:$0x3FA6]  }
0x28: {  	s2 =	sld [smem:$0x3FA7]  }
0x29: {  	s4 =	sld [smem:$0x3FA9]  }
0x2a: {  	p0 =	seq.s32 s5, $0x0;
	s5 =	sld [smem:$0x3FAA]  }
0x2b: {  	s6 =	sld [smem:$0x3FAB]  }
0x2c: {  	s7 =	sld [smem:$0x3FAC]  }
0x2d: {  	s3 =	simm.s32 $0x108;
	s8 =	sld [smem:$0x3FAD]  }
0x2e: {  	s3 =	simm.s32 @!p0 $0x1082;
	s9 =	sld [smem:$0x3FAE]  }
0x2f: {  	lr =	sadd.s32 s0, s3;
	s0 =	sld [smem:$0x3FA5]  }
0x30: {  	s3 =	sld [smem:$0x3FA8]  }
0x31: {  	[smem:$0x3FB1] =	sst s10  }
0x32: {  	s10 =	sld [smem:$0x3FAF];
	_ =	sdelay $0x3  }
0x33: {  	p0 =	seq.s32 s10, $0x1;
	s10 =	sld [smem:$0x3FB1];
	_ =	sdelay $0x3  }
0x34: {  	[smem:$0x3FB1] =	sst s10  }
0x35: {  	s10 =	sld [smem:$0x3FB0];
	_ =	sdelay $0x3  }
0x36: {  	p1 =	seq.s32 s10, $0x1;
	s10 =	sld [smem:$0x3FB1];
	_ =	sdelay $0x3  }
0x37: {  	[smem:$0x3FB1] =	sst s10  }
0x38: {  	s10 =	sld [smem:$0x3FB2]  }
0x39: {  	_ = 	snop;
	(pc) =	sbr.ind lr, $3  }
0x3a: {  	_ = 	snop  }
0x3b: {  	_ = 	snop  }
0x3c: {  	p2 =	seq.s32 s10, $0x1;
	s10 =	sld [smem:$0x3FB1]  }
0x3d: {  	_ =	shalt  }
0x3e: {  	_ =	shalt  }
0x3f: {  	_ =	shalt  }
0x40: {  	_ =	shalt  }
0x41: {  	_ =	shalt  }
0x42: {  	_ =	shalt  }
0x43: {  	_ =	shalt  }
0x44: {  	_ =	shalt  }
0x45: {  	_ =	shalt  }
0x46: {  	_ =	shalt  }
0x47: {  	_ =	shalt  }
0x48: {  	_ =	shalt  }
0x49: {  	_ =	shalt  }
0x4a: {  	_ =	shalt  }
0x4b: {  	_ =	shalt  }
0x4c: {  	_ =	shalt  }
0x4d: {  	_ =	shalt  }
0x4e: {  	_ =	shalt  }
0x4f: {  	_ =	shalt  }
0x50: {  	_ =	shalt  }
0x51: {  	_ =	shalt  }
0x52: {  	_ =	shalt  }
0x53: {  	_ =	shalt  }
0x54: {  	_ =	shalt  }
0x55: {  	_ =	shalt  }
0x56: {  	_ =	shalt  }
0x57: {  	_ =	shalt  }
0x58: {  	_ =	shalt  }
0x59: {  	_ =	shalt  }
0x5a: {  	_ =	shalt  }
0x5b: {  	_ =	shalt  }
0x5c: {  	_ =	shalt  }
0x5d: {  	_ =	shalt  }
0x5e: {  	_ =	shalt  }
0x5f: {  	_ =	shalt  }
0x60: {  	_ =	shalt  }
0x61: {  	_ =	shalt  }
0x62: {  	_ =	shalt  }
0x63: {  	_ =	shalt  }
0x64: {  	_ =	shalt  }
0x65: {  	_ =	shalt  }
0x66: {  	_ =	shalt  }
0x67: {  	_ =	shalt  }
0x68: {  	_ =	shalt  }
0x69: {  	_ =	shalt  }
0x6a: {  	_ =	shalt  }
0x6b: {  	_ =	shalt  }
0x6c: {  	_ =	shalt  }
0x6d: {  	_ =	shalt  }
0x6e: {  	_ =	shalt  }
0x6f: {  	_ =	shalt  }
0x70: {  	_ =	shalt  }
0x71: {  	_ =	shalt  }
0x72: {  	_ =	shalt  }
0x73: {  	_ =	shalt  }
0x74: {  	_ =	shalt  }
0x75: {  	_ =	shalt  }
0x76: {  	_ =	shalt  }
0x77: {  	_ =	shalt  }
0x78: {  	_ =	shalt  }
0x79: {  	_ =	shalt  }
0x7a: {  	_ =	shalt  }
0x7b: {  	_ =	shalt  }
0x7c: {  	_ =	shalt  }
0x7d: {  	_ =	shalt  }
0x7e: {  	_ =	shalt  }
0x7f: {  	_ =	shalt  }
0x80: {  	_ =	shalt  }
0x81: {  	_ =	shalt  }
0x82: {  	_ =	shalt  }
0x83: {  	_ =	shalt  }
0x84: {  	_ =	shalt  }
0x85: {  	_ =	shalt  }
0x86: {  	_ =	shalt  }
0x87: {  	_ =	shalt  }
.Lfunc_end0:
.L_simem_size_0:
called_computation_lowered:
.L_overlay_start_0:
0x88: {  	s2 =	sld [smem:$0x3FD9]  }
0x89: {  	s3 =	sld [smem:$0x3FFE];
	_ =	sdelay $0x1  }
0x8a: {  	s1 =	srdreg.scid  }
0x8b: {  	s0 =	sand.u32 $0x1, s1  }
0x8c: {  	s17 =	sshll.u32 s0, $0xA;
	s2 =	sadd.s32 s3, s2  }
0x8d: {  	s2 =	sadd.s32 s2, s17  }
0x8e: {  	[smem:$0x3FBD] =	sst s2  }
0x8f: {  	_ = 	snop  }
0x90: {  	s2 =	sld [smem:$0x3FC8];
	(tm) =	ssettm $0x1  }
0x91: {  	s18 =	sld [smem:$0x3FFB];
	_ =	sdelay $0x3  }
0x92: {  	_ =	strace s18  }
0x93: {  	s3 =	sld [smem:$0x3FFC];
	_ =	sdelay $0x3  }
0x94: {  	_ =	strace s3  }
0x95: {  	s3 =	sld [smem:$0x3FFD];
	_ =	sdelay $0x3  }
0x96: {  	_ =	strace s3  }
0x97: {  	_ =	strace $0x8FFFFFFF  }
0x98: {  	s19 =	sld [smem:$0x3FDB];
	_ =	sdelay $0x1  }
0x99: {  	s4 =	simm.s32 $_scs_section_size  }
0x9a: {  	s5 =	simm.s32 $_size__tile_overlayer_lowered;
	s6 =	simm.s32 $_tile_overlayer_lowered  }
0x9b: {  	s22 =	simm.s32 $0x1BFF;
	s21 =	sshll.u32 s6, $0x1;
	s3 =	sadd.s32 s4, s19  }
0x9c: {  	s7 =	simm.s32 $0x0;
	s20 =	sshll.u32 s5, $0x1;
	s5 =	sadd.s32 s21, s3  }
0x9d: {  	[timem:s7], [sflag:s22] =	dma.local [hbm:s5], s20  }
0x9e: {  	_ =	swait.ge [sflag:s22], s20  }
0x9f: {  	s4 =	ssub.s32 $0x0, s20;
	[sflag:s22] =	ssyncset.done $0x0  }
0xa0: {  	[sflag:s22] =	ssyncadd.s32 s4;
	_ =	sdelay $0x1  }
0xa1: {  	s23 =	simm.s32 $0x1B8B  }
0xa2: {  	_ =	swait.ge [sflag:s23], $0x1  }
0xa3: {  	[sflag:s23] =	ssyncset.done $0x0  }
0xa4: {  	s25 =	simm.s32 $0x1B8E;
	s24 =	sld [smem:$0x3FFE];
	[sflag:s23] =	ssyncadd.s32 $0xFFFFFFFF  }
0xa5: {  	s26 =	simm.s32 $execute0_lowered;
	[smem:$0x3FD2] =	sst s25  }
0xa6: {  	s5 =	sshll.u32 s26, $0x1;
	_ =	strace $0x80000046;
	[dreg:$0x1] =	wrdreg $0xFFFFFFFF  }
0xa7: {  	s28 =	simm.s32 $_size_execute0_lowered;
	s3 =	sadd.s32 s3, s5;
	[dreg:$0x0] =	wrdreg $0x0  }
0xa8: {  	s5 =	sshll.u32 s28, $0x1;
	[dreg:$0x2] =	wrdreg s3  }
0xa9: {  	[dreg:$0x3] =	wrdreg s5  }
0xaa: {  	[dreg:$0x4] =	wrdreg $0xC0  }
0xab: {  	_ =	task [dreg:s7], $0x5FFFF  }
0xac: {  	[dreg:$0x1] =	wrdreg $0xFFFFFFFF  }
0xad: {  	[dreg:$0x0] =	wrdreg $0x60  }
0xae: {  	[dreg:$0x2] =	wrdreg s24  }
0xaf: {  	[dreg:$0x3] =	wrdreg s2  }
0xb0: {  	[dreg:$0x4] =	wrdreg $0x9  }
0xb1: {  	_ =	task.clear_ibuf [dreg:s7], $0x5FFFF;
	_ =	strace $0x90000046  }
0xb2: {  	s29 =	simm.s32 $0x9;
	_ =	strace $0x80000048  }
0xb3: {  	_ =	swait.ge [sflag:s29], $0x1  }
0xb4: {  	[sflag:s29] =	ssyncadd.s32 $0xFFFFFFFF  }
0xb5: {  	_ =	strace $0x90000048  }
0xb6: {  	_ =	sfence  }
0xb7: {  	s30 =	sld [smem:$0x0];
	_ =	sdelay $0x2  }
0xb8: {  	s31 =	sshll.u32 s1, $0xD;
	s1 =	sshrl.u32 s1, $0x2  }
0xb9: {  	s3 =	sand.u32 $0x4000, s31;
	s1 =	sadd.s32 s1, s30  }
0xba: {  	s0 =	sor.u32 s3, s0;
	s1 =	sshll.u32 s1, $0x11  }
0xbb: {  	s0 =	sor.u32 s1, s0  }
0xbc: {  	s0 =	sadd.s32 $0x8F2B, s0  }
0xbd: {  	[sflag:s0] =	ssyncadd.remote.s32 $0x1  }
0xbe: {  	_ =	sfence.sel $0xFFFF  }
0xbf: {  	[dreg:$0x0] =	wrdreg $0xFFFFFFFF;
	(pc) =	sbr.abs _section_cstart, $3  }
0xc0: {  	[dreg:$0x1] =	wrdreg $0xFFFFFFFF  }
0xc1: {  	_ =	task.clear_ibuf [dreg:s7], $0x2FFFF;
	_ =	strace $0x9FFFFFFF  }
0xc2: {  	(tm) =	ssettm $0x7FFFFFFF  }
0xc3: {  	_ =	shalt  }
tec
execute0_lowered:
.L_overlay_start_1:
0x0: {  	(tag) =	ssettag $0x1  }
0x1: {  	s3 =	rddreg [dreg:$0x0]  }
0x2: {  	s5 =	rddreg [dreg:$0x1]  }
0x3: {  	s1 =	srdreg.scid;
	s0 =	rddreg [dreg:$0x2]  }
0x4: {  	s2 =	simm.s32 $0x0;
	s10 =	simm.s32 $0x800;
	s11 =	simm.s32 $0xC00  }
0x5: {  	s12 =	simm.s32 $0x0;
	s4 =	sand.u32 $0x1, s1;
	s1 =	stileid.u32  }
0x6: {  	[smem:$0x7FF] =	sst s2;
	s6 =	sshll.u32 s4, $0x4;
	s4 =	ssub.s32 $0x2, s4  }
0x7: {  	_ =	strace $0x80000047;
	s6 =	sor.u32 s1, s6;
	s9 =	sshrl.u32 s4, $0x1  }
0x8: {  	s7 =	sshll.u32 s6, $0x7;
	s6 =	sshll.u32 s6, $0x9;
	s9 =	ssub.s32 s4, s9  }
0x9: {  	s8 =	sadd.s32 s7, s3;
	s6 =	sadd.s32 s6, s3;
	s5 =	sadd.s32 s5, s7  }
0xa: {  	s7 =	smax.u32 s9, $0x1;
	s9 =	simm.s32 $0x400;
	s3 =	sadd.s32 $0x2A00, s8  }
0xb: {  	v0 =	vimm.f32 $0.0e+00;
	v1 =	vimm.f32 $1.000000000e+00;
	s4 =	sadd.s32 $0x1A00, s8;
	s6 =	sadd.s32 $0x3A00, s6;
	s8 =	simm.s32 $0x1  }
.LBB2_1:
0xc: {  	s13 =	simm.s32 $0x0;
	s14 =	simm.s32 $0x200  }
.LBB2_2:
0xd: {  	p0 =	sne.s32 s14, $0x3E00;
	[tilespmem:s13+$0xC70] =	vst v0  }
0xe: {  	[tilespmem:s13+$0xC00] =	vst v0  }
0xf: {  	[tilespmem:s13+$0xC10] =	vst v0  }
.Ltmp0:
0x10: {  	[tilespmem:s13+$0xC20] =	vst v0;
	(pc) =	sbr.rel @p0 .LBB2_2-.Ltmp0, $4  }
0x11: {  	[tilespmem:s13+$0xC30] =	vst v0  }
0x12: {  	[tilespmem:s13+$0xC40] =	vst v0  }
0x13: {  	[tilespmem:s13+$0xC50] =	vst v0  }
0x14: {  	[tilespmem:s13+$0xC60] =	vst v0;
	s13 =	sshra.s32 s14, $0x2;
	s14 =	sadd.s32 $0x200, s14  }
0x15: {  	[tilespmem:s13+$0xC70] =	vst v0  }
0x16: {  	[tilespmem:s13+$0xC00] =	vst v0  }
0x17: {  	[tilespmem:s13+$0xC10] =	vst v0  }
0x18: {  	[tilespmem:s13+$0xC20] =	vst v0  }
0x19: {  	[tilespmem:s13+$0xC30] =	vst v0  }
0x1a: {  	[tilespmem:s13+$0xC40] =	vst v0  }
0x1b: {  	[tilespmem:s13+$0xC50] =	vst v0  }
0x1c: {  	[tilespmem:s13+$0xC60] =	vst v0;
	s13 =	simm.s32 $0x0  }
0x1d: {  	[tilespmem:s13], [sflag:$0x1] =	stream.linear.gather [hbm4b:s3+s13], $0x400, $0x38;
	[tilespmem:$0x1C00] =	vst v63  }
0x1e: {  	_ =	swait.ge [sflag:s8], $0x400  }
0x1f: {  	[sflag:s8] =	ssyncset.done $0x0  }
0x20: {  	[sflag:s8] =	ssyncadd.s32 $0xFFFFFC00  }
0x21: {  	[tilespmem:s9], [sflag:$0x1] =	stream.linear.gather [hbm4b:s4+s13], $0x400, $0x38;
	[tilespmem:$0x1C00] =	vst v63  }
0x22: {  	_ =	swait.ge [sflag:s8], $0x400  }
0x23: {  	[sflag:s8] =	ssyncset.done $0x0  }
0x24: {  	[sflag:s8] =	ssyncadd.s32 $0xFFFFFC00  }
0x25: {  	[tilespmem:s10], [sflag:$0x1] =	stream.linear.gather [hbm4b:s5+s13], $0x400, $0x38;
	[tilespmem:$0x1C00] =	vst v63  }
0x26: {  	_ =	swait.ge [sflag:s8], $0x400  }
0x27: {  	[sflag:s8] =	ssyncset.done $0x0  }
0x28: {  	[sflag:s8] =	ssyncadd.s32 $0xFFFFFC00  }
.LBB2_4:
0x29: {  	s14 =	sshra.s32 s13, $0x2  }
0x2a: {  	v2 =	vld [tilespmem:s14+$0x0]  }
0x2b: {  	v3 =	vld [tilespmem:s14+$0x400];
	_ =	sdelay $0x1  }
0x2c: {  	v4 =	vld [tilespmem:s14+$0x800];
	_ =	sdelay $0x2  }
0x2d: {  	vm0 =	vgt.s32 v2, $0x0;
	vm1 =	vgt.s32 v3, $0x0  }
0x2e: {  	v2 =	vnsel vm0, $0x0, v2;
	v3 =	vnsel vm1, $0x0, v3  }
0x2f: {  	v4 =	vshll.u32 v4, $0x7;
	v2 =	vmin.u32 v2, $0x65;
	v3 =	vmin.u32 v3, $0xA  }
0x30: {  	v2 =	vor.u32 v4, v2;
	v3 =	vor.u32 v3, v4  }
0x31: {  	v3 =	vadd.s32 $0x800, v3;
	_ =	sdelay $0x3  }
0x32: {  	[tilespmem:v2+s11+$0x0] =	vst.idx.add.f32.msk $0xffff, v1  }
0x33: {  	[tilespmem:v3+s11+$0x0] =	vst.idx.add.f32.msk $0xffff, v1  }
0x34: {  	v2 =	vld [tilespmem:s14+$0x10]  }
0x35: {  	v3 =	vld [tilespmem:s14+$0x410];
	_ =	sdelay $0x1  }
0x36: {  	v61 =	vld [tilespmem:s14+$0x810];
	_ =	sdelay $0x2  }
0x37: {  	vm10 =	vgt.s32 v2, $0x0;
	vm11 =	vgt.s32 v3, $0x0  }
0x38: {  	v2 =	vnsel vm10, $0x0, v2;
	v3 =	vnsel vm11, $0x0, v3  }
0x39: {  	v4 =	vshll.u32 v61, $0x7;
	v2 =	vmin.u32 v2, $0x65;
	v3 =	vmin.u32 v3, $0xA  }
0x3a: {  	v2 =	vor.u32 v4, v2;
	v3 =	vor.u32 v3, v4  }
0x3b: {  	v3 =	vadd.s32 $0x800, v3;
	_ =	sdelay $0x3  }
0x3c: {  	[tilespmem:v2+s11+$0x0] =	vst.idx.add.f32.msk $0xffff, v1  }
0x3d: {  	[tilespmem:v3+s11+$0x0] =	vst.idx.add.f32.msk $0xffff, v1  }
0x3e: {  	v2 =	vld [tilespmem:s14+$0x20]  }
0x3f: {  	v3 =	vld [tilespmem:s14+$0x420];
	_ =	sdelay $0x1  }
0x40: {  	v62 =	vld [tilespmem:s14+$0x820];
	_ =	sdelay $0x2  }
0x41: {  	vm12 =	vgt.s32 v2, $0x0;
	vm13 =	vgt.s32 v3, $0x0  }
0x42: {  	v2 =	vnsel vm12, $0x0, v2;
	v3 =	vnsel vm13, $0x0, v3  }
0x43: {  	v4 =	vshll.u32 v62, $0x7;
	v2 =	vmin.u32 v2, $0x65;
	v3 =	vmin.u32 v3, $0xA  }
0x44: {  	v2 =	vor.u32 v4, v2;
	v3 =	vor.u32 v3, v4  }
0x45: {  	v3 =	vadd.s32 $0x800, v3;
	_ =	sdelay $0x3  }
0x46: {  	[tilespmem:v2+s11+$0x0] =	vst.idx.add.f32.msk $0xffff, v1  }
0x47: {  	[tilespmem:v3+s11+$0x0] =	vst.idx.add.f32.msk $0xffff, v1  }
0x48: {  	v2 =	vld [tilespmem:s14+$0x30]  }
0x49: {  	v3 =	vld [tilespmem:s14+$0x430];
	_ =	sdelay $0x1  }
0x4a: {  	v63 =	vld [tilespmem:s14+$0x830];
	_ =	sdelay $0x2  }
0x4b: {  	vm14 =	vgt.s32 v2, $0x0;
	vm15 =	vgt.s32 v3, $0x0  }
0x4c: {  	v2 =	vnsel vm14, $0x0, v2;
	v3 =	vnsel vm15, $0x0, v3  }
0x4d: {  	v4 =	vshll.u32 v63, $0x7;
	v2 =	vmin.u32 v2, $0x65;
	v3 =	vmin.u32 v3, $0xA  }
0x4e: {  	v2 =	vor.u32 v4, v2;
	v3 =	vor.u32 v3, v4  }
0x4f: {  	p0 =	sne.s32 s13, $0xF00;
	v3 =	vadd.s32 $0x800, v3  }
.Ltmp1:
0x50: {  	_ = 	snop;
	(pc) =	sbr.rel @p0 .LBB2_4-.Ltmp1, $3  }
0x51: {  	_ =	sdelay $0x1  }
0x52: {  	[tilespmem:v2+s11+$0x0] =	vst.idx.add.f32.msk $0xffff, v1  }
0x53: {  	s13 =	sadd.s32 $0x100, s13;
	[tilespmem:v3+s11+$0x0] =	vst.idx.add.f32.msk $0xffff, v1  }
0x54: {  	s12 =	sadd.s32 $0x1, s12  }
0x55: {  	p0 =	sne.s32 s12, s7  }
.Ltmp2:
0x56: {  	_ = 	snop;
	(pc) =	sbr.rel @p0 .LBB2_1-.Ltmp2, $4  }
0x57: {  	[hbm4b:s6+s2] =	stream.linear.scatter [tilespmem:s11], [sflag:$0x1], $0x1000, $0x38;
	[tilespmem:$0x1C00] =	vst v63  }
0x58: {  	_ =	swait.ge [sflag:s8], $0x1000  }
0x59: {  	[sflag:s8] =	ssyncset.done $0x0  }
0x5a: {  	[sflag:s8] =	ssyncadd.s32 $0xFFFFF000  }
0x5b: {  	_ =	sfence.sel $0x180000  }
0x5c: {  	[bflag:$0x0] =	sbarrier.arrive $0xFFFF  }
0x5d: {  	p0 =	sne.s32 s1, $0x0;
	_ =	strace $0x90000047  }
0x5e: {  	s0 =	sadd.s32 @!p0 $0x100000, s0;
	[bflag:$0x2] =	sbarrier.arrive $0xFFFF  }
0x5f: {  	[sflag:s0] =	ssyncadd.tile.s32 @!p0 $0x1;
	_ =	shalt  }
.Lfunc_end2:
_tile_overlayer_lowered:
.L_overlay_start_2:
0x60: {  	(tag) =	ssettag $0x2  }
0x61: {  	s0 =	rddreg [dreg:$0x0];
	s2 =	stileid.u32  }
0x62: {  	s1 =	rddreg [dreg:$0x1];
	p0 =	sne.s32 s2, $0x0  }
0x63: {  	s3 =	rddreg [dreg:$0x2];
	[bflag:$0x3] =	sbarrier.arrive $0xFFFF;
	s2 =	simm.s32 @!p0 $0x1C01  }
0x64: {  	[timem:s3], [sflag:s2] =	dma.local @!p0 [hbm:s0], s1  }
0x65: {  	s0 =	simm.s32 @!p0 $0x1  }
0x66: {  	_ =	swait.ge @!p0 [sflag:s0], s1  }
0x67: {  	s1 =	ssub.s32 @!p0 $0x0, s1;
	[sflag:s0] =	ssyncset.done @!p0 $0x0  }
0x68: {  	[sflag:s0] =	ssyncadd.s32 @!p0 s1  }
0x69: {  	[bflag:$0x3] =	sbarrier.arrive $0xFFFF  }
0x6a: {  	_ =	shalt  }

</sc_bundles>
